<compile_context>
chip_gen: v7x
topology: tpu7x:2x2x1
jax: 0.10.2.dev20260603
libtpu: 0.0.44.dev20260713+nightly
codegen_flags: <defaults>
</compile_context>

<pallas_src>
import functools

import jax
import jax.numpy as jnp
from jax import lax
from jax.experimental import pallas as pl
from jax.experimental.pallas import tpu as pltpu
from jax.experimental.pallas import tpu_sc as plsc



def _make_sc_gather(V, D, B, num_cores=None):
    info = plsc.get_sparse_core_info()
    NC, NS = info.num_cores, info.num_subcores
    if num_cores is not None:
        NC = num_cores
    NW = NC * NS
    b_per_w = B // NW
    assert B % NW == 0 and b_per_w % 128 == 0
    nchunk = b_per_w // 128
    mesh = plsc.VectorSubcoreMesh(core_axis_name="c", subcore_axis_name="s",
                                  num_cores=NC)

    nbuf = min(nchunk, 4)

    def gather_k(idx_hbm, table_hbm, out_hbm, idx_v, rows_v, *sems):
        gsems = sems[:nbuf]
        wsems = sems[nbuf:]
        wid = lax.axis_index("s") * NC + lax.axis_index("c")
        base = wid * b_per_w

        pltpu.sync_copy(idx_hbm.at[wid], idx_v)

        def gather_chunk(j):
            return pltpu.async_copy(
                table_hbm.at[idx_v.at[j]],
                rows_v.at[j % nbuf],
                gsems[j % nbuf],
            )

        gathers = [gather_chunk(j) for j in range(nbuf)]
        gathers += [None] * (nchunk - nbuf)
        writes = [None] * nchunk
        for j in range(nchunk):
            slot = j % nbuf
            gathers[j].wait()
            writes[j] = pltpu.async_copy(
                rows_v.at[slot],
                out_hbm.at[pl.ds(base + j * 128, 128)],
                wsems[slot],
            )
            k = j + nbuf
            if k < nchunk:
                writes[j].wait()
                gathers[k] = gather_chunk(k)
        for j in range(nchunk - nbuf, nchunk):
            writes[j].wait()

    gather_call = functools.partial(
        pl.kernel,
        mesh=mesh,
        out_type=jax.ShapeDtypeStruct((B, D), jnp.float32),
        scratch_types=[
            pltpu.VMEM((nchunk, 128), jnp.int32),
            pltpu.VMEM((nbuf, 128, D), jnp.float32),
        ] + [pltpu.SemaphoreType.DMA] * (2 * nbuf),
    )(gather_k)

    def run(item_indices, Item):
        idx3 = item_indices.reshape(NW, nchunk, 128)
        return gather_call(idx3, Item)

    return run



def _mlp_body(x_ref, pu_ref, eu_ref, w1_ref, b1_ref, w2_ref, b2_ref,
              w3_ref, b3_ref, wo_ref, bo_ref, out_ref,
              h0_ref, w1b_ref, w2b_ref, w3b_ref, wob_ref, b2b_ref, b3b_ref):
    f32, bf = jnp.float32, jnp.bfloat16
    D = pu_ref.shape[1]

    @pl.when(pl.program_id(0) == 0)
    def _():
        u = pu_ref[...] + eu_ref[...]
        h0_ref[...] = (
            jnp.dot(u, w1_ref[0:D, :], preferred_element_type=f32)
            + b1_ref[...]).astype(bf)
        w1b_ref[...] = w1_ref[D:, :].astype(bf)
        w2b_ref[...] = w2_ref[...].astype(bf)
        w3b_ref[...] = w3_ref[...].astype(bf)
        wob_ref[...] = wo_ref[...].astype(bf)
        b2b_ref[...] = b2_ref[...].astype(bf)
        b3b_ref[...] = b3_ref[...].astype(bf)

    h0 = h0_ref[...]
    x = x_ref[...].astype(bf)
    d1 = jnp.dot(x, w1b_ref[...], preferred_element_type=f32)
    h1 = jnp.maximum(d1.astype(bf) + h0, 0)
    d2 = jnp.dot(h1, w2b_ref[...], preferred_element_type=f32)
    h2 = jnp.maximum(d2.astype(bf) + b2b_ref[...], 0)
    d3 = jnp.dot(h2, w3b_ref[...], preferred_element_type=f32)
    h3 = jnp.maximum(d3.astype(bf) + b3b_ref[...], 0)
    logit_t = (jnp.dot(wob_ref[...], h3.T, preferred_element_type=f32)
               + bo_ref[...])
    out_ref[...] = jax.nn.sigmoid(logit_t)


def _mlp(x, Pu, Eu, W1, b1, W2, b2, W3, b3, Wo, bo, blk=4096, interpret=False):
    B, D = x.shape
    H1 = W1.shape[1]
    H2 = W2.shape[1]
    H3 = W3.shape[1]
    grid = (B // blk,)
    full = lambda shape: pl.BlockSpec(shape, lambda i: tuple(0 for _ in shape))
    return pl.pallas_call(
        _mlp_body,
        grid=grid,
        in_specs=[
            pl.BlockSpec((blk, D), lambda i: (i, 0)),
            full((1, D)),
            full((1, D)),
            full((2 * D, H1)),
            full((1, H1)),
            full((H1, H2)),
            full((1, H2)),
            full((H2, H3)),
            full((1, H3)),
            full((1, H3)),
            full((1, 1)),
        ],
        out_specs=pl.BlockSpec((1, blk), lambda i: (0, i)),
        out_shape=jax.ShapeDtypeStruct((1, B), jnp.float32),
        scratch_shapes=[
            pltpu.VMEM((1, H1), jnp.bfloat16),
            pltpu.VMEM((D, H1), jnp.bfloat16),
            pltpu.VMEM((H1, H2), jnp.bfloat16),
            pltpu.VMEM((H2, H3), jnp.bfloat16),
            pltpu.VMEM((1, H3), jnp.bfloat16),
            pltpu.VMEM((1, H2), jnp.bfloat16),
            pltpu.VMEM((1, H3), jnp.bfloat16),
        ],
        compiler_params=pltpu.CompilerParams(
            dimension_semantics=("arbitrary",),
        ),
        interpret=interpret,
    )(x, Pu, Eu, W1, b1, W2, b2, W3, b3, Wo, bo)


def kernel(item_indices, Pu, Eu, Item, W1, b1, W2, b2, W3, b3, Wo, bo):
    B = item_indices.shape[0]
    V, D = Item.shape
    gather = _make_sc_gather(V, D, B)
    x = gather(item_indices.astype(jnp.int32), Item)
    out = _mlp(
        x, Pu, Eu, W1, b1.reshape(1, -1), W2, b2.reshape(1, -1),
        W3, b3.reshape(1, -1), Wo.reshape(1, -1), bo.reshape(1, 1),
    )
    return out.reshape(B, 1)

# --- scband reference (transcript-rebuilt; emitter-appended) ---
"""Pipeline reference for scband-client-1005022347889 (READ-ONLY COPY).

The authoritative reference and input builder live on the scoring server;
editing this copy changes nothing except your own understanding.
"""

import jax, jax.numpy as jnp
import numpy as np

B = 16384
V = 100000
D = 128
LAYERS = [256, 256, 128, 64]


def setup_inputs(seed: int = 0) -> dict:
    key = jax.random.key(seed)
    ks = jax.random.split(key, 16)
    item_indices = jax.random.randint(ks[0], (B,), 0, V)
    Pu = jax.random.normal(ks[1], (1, D), dtype=jnp.float32) * 0.02
    Eu = jax.random.normal(ks[2], (1, D), dtype=jnp.float32) * 0.02
    Item = jax.random.normal(ks[3], (V, D), dtype=jnp.float32) * 0.02
    W1 = jax.random.normal(ks[4], (LAYERS[0], LAYERS[1]), dtype=jnp.float32) * (1.0 / np.sqrt(LAYERS[0]))
    b1 = jnp.zeros((LAYERS[1],), dtype=jnp.float32)
    W2 = jax.random.normal(ks[5], (LAYERS[1], LAYERS[2]), dtype=jnp.float32) * (1.0 / np.sqrt(LAYERS[1]))
    b2 = jnp.zeros((LAYERS[2],), dtype=jnp.float32)
    W3 = jax.random.normal(ks[6], (LAYERS[2], LAYERS[3]), dtype=jnp.float32) * (1.0 / np.sqrt(LAYERS[2]))
    b3 = jnp.zeros((LAYERS[3],), dtype=jnp.float32)
    Wo = jax.random.normal(ks[7], (LAYERS[3], 1), dtype=jnp.float32) * (1.0 / np.sqrt(LAYERS[3]))
    bo = jnp.zeros((1,), dtype=jnp.float32)
    return {"item_indices": item_indices, "Pu": Pu, "Eu": Eu, "Item": Item,
            "W1": W1, "b1": b1, "W2": W2, "b2": b2, "W3": W3, "b3": b3,
            "Wo": Wo, "bo": bo}


def reference(item_indices, Pu, Eu, Item, W1, b1, W2, b2, W3, b3, Wo, bo):
    n = item_indices.shape[0]
    zidx = jnp.zeros((n,), dtype=jnp.int32)
    puser_embedding = jnp.take(Pu, zidx, axis=0)
    euser_embedding = jnp.take(Eu, zidx, axis=0)
    item_embedding = jnp.take(Item, item_indices, axis=0)
    vector = jnp.concatenate([euser_embedding + puser_embedding, item_embedding], axis=-1)
    vector = jax.nn.relu(vector @ W1 + b1)
    vector = jax.nn.relu(vector @ W2 + b2)
    vector = jax.nn.relu(vector @ W3 + b3)
    logits = vector @ Wo + bo
    rating = jax.nn.sigmoid(logits)
    return rating

if __name__ == "__main__":
    import jax
    _d = setup_inputs()
    print(jax.jit(kernel)(*tuple(_d.values())))

</pallas_src>

<mosaic_0001>
#map = affine_map<(d0, d1) -> (0, 0, 0)>
#map1 = affine_map<(d0, d1) -> (0, 0)>
module attributes {stable_mosaic.version = 14 : i64} {
  func.func @gather_k(%arg0: i32, %arg1: i32, %arg2: memref<32x4x128xi32, #tpu.memory_space<hbm>>, %arg3: memref<100000x128xf32, #tpu.memory_space<hbm>>, %arg4: memref<16384x128xf32, #tpu.memory_space<hbm>>, %arg5: memref<4x128xi32, #tpu.memory_space<vmem>>, %arg6: memref<4x128x128xf32, #tpu.memory_space<vmem>>, %arg7: memref<!tpu.dma_semaphore, #tpu.memory_space<semaphore_mem>>, %arg8: memref<!tpu.dma_semaphore, #tpu.memory_space<semaphore_mem>>, %arg9: memref<!tpu.dma_semaphore, #tpu.memory_space<semaphore_mem>>, %arg10: memref<!tpu.dma_semaphore, #tpu.memory_space<semaphore_mem>>, %arg11: memref<!tpu.dma_semaphore, #tpu.memory_space<semaphore_mem>>, %arg12: memref<!tpu.dma_semaphore, #tpu.memory_space<semaphore_mem>>, %arg13: memref<!tpu.dma_semaphore, #tpu.memory_space<semaphore_mem>>, %arg14: memref<!tpu.dma_semaphore, #tpu.memory_space<semaphore_mem>>) attributes {dimension_semantics = [#tpu.dimension_semantics<core_parallel>, #tpu.dimension_semantics<subcore_parallel>], iteration_bounds = array<i64: 2, 16>, scalar_prefetch = 0 : i64, scratch_operands = 10 : i64, tpu.core_type = #tpu.core_type<sc_vector_subcore>, window_params = [{transform_indices = #map}, {transform_indices = #map1}, {transform_indices = #map1}]} {
    %mul3A = arith.constant 2 : i32
    %mul3A_0 = arith.muli %arg1, %mul3A : i32
    %add3A = arith.addi %mul3A_0, %arg0 : i32
    %mul3A_1 = arith.constant 512 : i32
    %mul3A_2 = arith.muli %add3A, %mul3A_1 : i32
    "tpu.region"() ({
      %run_scoped3A = tpu.sem_alloc : memref<!tpu.dma_semaphore, #tpu.memory_space<semaphore_mem>>
      %dma_start3A_209 = arith.constant 0 : i32
      %dma_start3A_210 = arith.constant 0 : i32
      %dma_start3A_211 = tpu.memref_slice %arg2[%add3A, %dma_start3A_209, %dma_start3A_210] : memref<32x4x128xi32, #tpu.memory_space<hbm>> -> memref<1x4x128xi32, #tpu.memory_space<hbm>>
      %dma_start3A_212 = tpu.memref_squeeze %dma_start3A_211 : memref<1x4x128xi32, #tpu.memory_space<hbm>> -> memref<4x128xi32, #tpu.memory_space<hbm>>
      %dma_start3A_213 = arith.constant 0 : i32
      %dma_start3A_214 = arith.constant 0 : i32
      %dma_start3A_215 = tpu.memref_slice %arg2[%add3A, %dma_start3A_213, %dma_start3A_214] : memref<32x4x128xi32, #tpu.memory_space<hbm>> -> memref<1x4x128xi32, #tpu.memory_space<hbm>>
      %dma_start3A_216 = tpu.memref_squeeze %dma_start3A_215 : memref<1x4x128xi32, #tpu.memory_space<hbm>> -> memref<4x128xi32, #tpu.memory_space<hbm>>
      tpu.enqueue_dma source(%dma_start3A_216 : memref<4x128xi32, #tpu.memory_space<hbm>>) target(%arg5 : memref<4x128xi32, #tpu.memory_space<vmem>>) target_semaphore(%run_scoped3A : memref<!tpu.dma_semaphore, #tpu.memory_space<semaphore_mem>>)
      %dma_wait3A_217 = arith.constant 0 : i32
      %dma_wait3A_218 = arith.constant 0 : i32
      %dma_wait3A_219 = tpu.memref_slice %arg2[%add3A, %dma_wait3A_217, %dma_wait3A_218] : memref<32x4x128xi32, #tpu.memory_space<hbm>> -> memref<1x4x128xi32, #tpu.memory_space<hbm>>
      %dma_wait3A_220 = tpu.memref_squeeze %dma_wait3A_219 : memref<1x4x128xi32, #tpu.memory_space<hbm>> -> memref<4x128xi32, #tpu.memory_space<hbm>>
      %dma_wait3A_221 = arith.constant 0 : i32
      %dma_wait3A_222 = arith.constant 0 : i32
      %dma_wait3A_223 = tpu.memref_slice %arg2[%add3A, %dma_wait3A_221, %dma_wait3A_222] : memref<32x4x128xi32, #tpu.memory_space<hbm>> -> memref<1x4x128xi32, #tpu.memory_space<hbm>>
      %dma_wait3A_224 = tpu.memref_squeeze %dma_wait3A_223 : memref<1x4x128xi32, #tpu.memory_space<hbm>> -> memref<4x128xi32, #tpu.memory_space<hbm>>
      tpu.wait_dma2 semaphore(%run_scoped3A : memref<!tpu.dma_semaphore, #tpu.memory_space<semaphore_mem>>) src(%dma_wait3A_224 : memref<4x128xi32, #tpu.memory_space<hbm>>) dst(%arg5 : memref<4x128xi32, #tpu.memory_space<vmem>>)
      tpu.yield
    }) : () -> ()
    %dma_start3A = arith.constant 0 : i32
    %dma_start3A_3 = arith.constant 0 : i32
    %dma_start3A_4 = arith.constant 0 : i32
    %dma_start3A_5 = arith.constant 0 : i32
    %dma_start3A_6 = tpu.memref_slice %arg6[%dma_start3A_3, %dma_start3A_4, %dma_start3A_5] : memref<4x128x128xf32, #tpu.memory_space<vmem>> -> memref<1x128x128xf32, #tpu.memory_space<vmem>>
    %dma_start3A_7 = tpu.memref_squeeze %dma_start3A_6 : memref<1x128x128xf32, #tpu.memory_space<vmem>> -> memref<128x128xf32, #tpu.memory_space<vmem>>
    %dma_start3A_8 = arith.constant 0 : i32
    %dma_start3A_9 = tpu.memref_slice %arg5[%dma_start3A, %dma_start3A_8] : memref<4x128xi32, #tpu.memory_space<vmem>> -> memref<1x128xi32, #tpu.memory_space<vmem>>
    %dma_start3A_10 = tpu.memref_squeeze %dma_start3A_9 : memref<1x128xi32, #tpu.memory_space<vmem>> -> memref<128xi32, #tpu.memory_space<vmem>>
    %dma_start3A_11 = arith.constant 0 : i32
    %dma_start3A_12 = arith.constant 0 : i32
    %dma_start3A_13 = tpu.memref_slice %arg3[%dma_start3A_11, %dma_start3A_12] : memref<100000x128xf32, #tpu.memory_space<hbm>> -> memref<100000x128xf32, #tpu.memory_space<hbm>>
    tpu.enqueue_indirect_dma source(%dma_start3A_13 : memref<100000x128xf32, #tpu.memory_space<hbm>>) target(%dma_start3A_7 : memref<128x128xf32, #tpu.memory_space<vmem>>) offsets(%dma_start3A_10 : memref<128xi32, #tpu.memory_space<vmem>>) semaphore(%arg7 : memref<!tpu.dma_semaphore, #tpu.memory_space<semaphore_mem>>)
    %dma_start3A_14 = arith.constant 1 : i32
    %dma_start3A_15 = arith.constant 1 : i32
    %dma_start3A_16 = arith.constant 0 : i32
    %dma_start3A_17 = arith.constant 0 : i32
    %dma_start3A_18 = tpu.memref_slice %arg6[%dma_start3A_15, %dma_start3A_16, %dma_start3A_17] : memref<4x128x128xf32, #tpu.memory_space<vmem>> -> memref<1x128x128xf32, #tpu.memory_space<vmem>>
    %dma_start3A_19 = tpu.memref_squeeze %dma_start3A_18 : memref<1x128x128xf32, #tpu.memory_space<vmem>> -> memref<128x128xf32, #tpu.memory_space<vmem>>
    %dma_start3A_20 = arith.constant 0 : i32
    %dma_start3A_21 = tpu.memref_slice %arg5[%dma_start3A_14, %dma_start3A_20] : memref<4x128xi32, #tpu.memory_space<vmem>> -> memref<1x128xi32, #tpu.memory_space<vmem>>
    %dma_start3A_22 = tpu.memref_squeeze %dma_start3A_21 : memref<1x128xi32, #tpu.memory_space<vmem>> -> memref<128xi32, #tpu.memory_space<vmem>>
    %dma_start3A_23 = arith.constant 0 : i32
    %dma_start3A_24 = arith.constant 0 : i32
    %dma_start3A_25 = tpu.memref_slice %arg3[%dma_start3A_23, %dma_start3A_24] : memref<100000x128xf32, #tpu.memory_space<hbm>> -> memref<100000x128xf32, #tpu.memory_space<hbm>>
    tpu.enqueue_indirect_dma source(%dma_start3A_25 : memref<100000x128xf32, #tpu.memory_space<hbm>>) target(%dma_start3A_19 : memref<128x128xf32, #tpu.memory_space<vmem>>) offsets(%dma_start3A_22 : memref<128xi32, #tpu.memory_space<vmem>>) semaphore(%arg8 : memref<!tpu.dma_semaphore, #tpu.memory_space<semaphore_mem>>)
    %dma_start3A_26 = arith.constant 2 : i32
    %dma_start3A_27 = arith.constant 2 : i32
    %dma_start3A_28 = arith.constant 0 : i32
    %dma_start3A_29 = arith.constant 0 : i32
    %dma_start3A_30 = tpu.memref_slice %arg6[%dma_start3A_27, %dma_start3A_28, %dma_start3A_29] : memref<4x128x128xf32, #tpu.memory_space<vmem>> -> memref<1x128x128xf32, #tpu.memory_space<vmem>>
    %dma_start3A_31 = tpu.memref_squeeze %dma_start3A_30 : memref<1x128x128xf32, #tpu.memory_space<vmem>> -> memref<128x128xf32, #tpu.memory_space<vmem>>
    %dma_start3A_32 = arith.constant 0 : i32
    %dma_start3A_33 = tpu.memref_slice %arg5[%dma_start3A_26, %dma_start3A_32] : memref<4x128xi32, #tpu.memory_space<vmem>> -> memref<1x128xi32, #tpu.memory_space<vmem>>
    %dma_start3A_34 = tpu.memref_squeeze %dma_start3A_33 : memref<1x128xi32, #tpu.memory_space<vmem>> -> memref<128xi32, #tpu.memory_space<vmem>>
    %dma_start3A_35 = arith.constant 0 : i32
    %dma_start3A_36 = arith.constant 0 : i32
    %dma_start3A_37 = tpu.memref_slice %arg3[%dma_start3A_35, %dma_start3A_36] : memref<100000x128xf32, #tpu.memory_space<hbm>> -> memref<100000x128xf32, #tpu.memory_space<hbm>>
    tpu.enqueue_indirect_dma source(%dma_start3A_37 : memref<100000x128xf32, #tpu.memory_space<hbm>>) target(%dma_start3A_31 : memref<128x128xf32, #tpu.memory_space<vmem>>) offsets(%dma_start3A_34 : memref<128xi32, #tpu.memory_space<vmem>>) semaphore(%arg9 : memref<!tpu.dma_semaphore, #tpu.memory_space<semaphore_mem>>)
    %dma_start3A_38 = arith.constant 3 : i32
    %dma_start3A_39 = arith.constant 3 : i32
    %dma_start3A_40 = arith.constant 0 : i32
    %dma_start3A_41 = arith.constant 0 : i32
    %dma_start3A_42 = tpu.memref_slice %arg6[%dma_start3A_39, %dma_start3A_40, %dma_start3A_41] : memref<4x128x128xf32, #tpu.memory_space<vmem>> -> memref<1x128x128xf32, #tpu.memory_space<vmem>>
    %dma_start3A_43 = tpu.memref_squeeze %dma_start3A_42 : memref<1x128x128xf32, #tpu.memory_space<vmem>> -> memref<128x128xf32, #tpu.memory_space<vmem>>
    %dma_start3A_44 = arith.constant 0 : i32
    %dma_start3A_45 = tpu.memref_slice %arg5[%dma_start3A_38, %dma_start3A_44] : memref<4x128xi32, #tpu.memory_space<vmem>> -> memref<1x128xi32, #tpu.memory_space<vmem>>
    %dma_start3A_46 = tpu.memref_squeeze %dma_start3A_45 : memref<1x128xi32, #tpu.memory_space<vmem>> -> memref<128xi32, #tpu.memory_space<vmem>>
    %dma_start3A_47 = arith.constant 0 : i32
    %dma_start3A_48 = arith.constant 0 : i32
    %dma_start3A_49 = tpu.memref_slice %arg3[%dma_start3A_47, %dma_start3A_48] : memref<100000x128xf32, #tpu.memory_space<hbm>> -> memref<100000x128xf32, #tpu.memory_space<hbm>>
    tpu.enqueue_indirect_dma source(%dma_start3A_49 : memref<100000x128xf32, #tpu.memory_space<hbm>>) target(%dma_start3A_43 : memref<128x128xf32, #tpu.memory_space<vmem>>) offsets(%dma_start3A_46 : memref<128xi32, #tpu.memory_space<vmem>>) semaphore(%arg10 : memref<!tpu.dma_semaphore, #tpu.memory_space<semaphore_mem>>)
    %dma_wait3A = arith.constant 0 : i32
    %dma_wait3A_50 = arith.constant 0 : i32
    %dma_wait3A_51 = arith.constant 0 : i32
    %dma_wait3A_52 = arith.constant 0 : i32
    %dma_wait3A_53 = tpu.memref_slice %arg6[%dma_wait3A_50, %dma_wait3A_51, %dma_wait3A_52] : memref<4x128x128xf32, #tpu.memory_space<vmem>> -> memref<1x128x128xf32, #tpu.memory_space<vmem>>
    %dma_wait3A_54 = tpu.memref_squeeze %dma_wait3A_53 : memref<1x128x128xf32, #tpu.memory_space<vmem>> -> memref<128x128xf32, #tpu.memory_space<vmem>>
    %dma_wait3A_55 = arith.constant 0 : i32
    %dma_wait3A_56 = tpu.memref_slice %arg5[%dma_wait3A, %dma_wait3A_55] : memref<4x128xi32, #tpu.memory_space<vmem>> -> memref<1x128xi32, #tpu.memory_space<vmem>>
    %dma_wait3A_57 = tpu.memref_squeeze %dma_wait3A_56 : memref<1x128xi32, #tpu.memory_space<vmem>> -> memref<128xi32, #tpu.memory_space<vmem>>
    %dma_wait3A_58 = arith.constant 0 : i32
    %dma_wait3A_59 = arith.constant 0 : i32
    %dma_wait3A_60 = tpu.memref_slice %arg3[%dma_wait3A_58, %dma_wait3A_59] : memref<100000x128xf32, #tpu.memory_space<hbm>> -> memref<100000x128xf32, #tpu.memory_space<hbm>>
    tpu.wait_indirect_dma semaphore(%arg7 : memref<!tpu.dma_semaphore, #tpu.memory_space<semaphore_mem>>) src(%dma_wait3A_60 : memref<100000x128xf32, #tpu.memory_space<hbm>>) dst(%dma_wait3A_54 : memref<128x128xf32, #tpu.memory_space<vmem>>)
    %add3A_61 = arith.constant 0 : i32
    %add3A_62 = arith.addi %mul3A_2, %add3A_61 : i32
    %dma_start3A_63 = arith.constant 0 : i32
    %dma_start3A_64 = arith.constant 0 : i32
    %dma_start3A_65 = arith.constant 0 : i32
    %dma_start3A_66 = tpu.memref_slice %arg6[%dma_start3A_63, %dma_start3A_64, %dma_start3A_65] : memref<4x128x128xf32, #tpu.memory_space<vmem>> -> memref<1x128x128xf32, #tpu.memory_space<vmem>>
    %dma_start3A_67 = tpu.memref_squeeze %dma_start3A_66 : memref<1x128x128xf32, #tpu.memory_space<vmem>> -> memref<128x128xf32, #tpu.memory_space<vmem>>
    %dma_start3A_68 = arith.constant 0 : i32
    %dma_start3A_69 = tpu.memref_slice %arg4[%add3A_62, %dma_start3A_68] : memref<16384x128xf32, #tpu.memory_space<hbm>> -> memref<128x128xf32, #tpu.memory_space<hbm>>
    %dma_start3A_70 = arith.constant 0 : i32
    %dma_start3A_71 = tpu.memref_slice %arg4[%add3A_62, %dma_start3A_70] : memref<16384x128xf32, #tpu.memory_space<hbm>> -> memref<128x128xf32, #tpu.memory_space<hbm>>
    %dma_start3A_72 = arith.constant 0 : i32
    %dma_start3A_73 = arith.constant 0 : i32
    %dma_start3A_74 = tpu.memref_slice %arg6[%dma_start3A_63, %dma_start3A_72, %dma_start3A_73] : memref<4x128x128xf32, #tpu.memory_space<vmem>> -> memref<1x128x128xf32, #tpu.memory_space<vmem>>
    %dma_start3A_75 = tpu.memref_squeeze %dma_start3A_74 : memref<1x128x128xf32, #tpu.memory_space<vmem>> -> memref<128x128xf32, #tpu.memory_space<vmem>>
    tpu.enqueue_dma source(%dma_start3A_75 : memref<128x128xf32, #tpu.memory_space<vmem>>) target(%dma_start3A_71 : memref<128x128xf32, #tpu.memory_space<hbm>>) target_semaphore(%arg11 : memref<!tpu.dma_semaphore, #tpu.memory_space<semaphore_mem>>)
    %dma_wait3A_76 = arith.constant 1 : i32
    %dma_wait3A_77 = arith.constant 1 : i32
    %dma_wait3A_78 = arith.constant 0 : i32
    %dma_wait3A_79 = arith.constant 0 : i32
    %dma_wait3A_80 = tpu.memref_slice %arg6[%dma_wait3A_77, %dma_wait3A_78, %dma_wait3A_79] : memref<4x128x128xf32, #tpu.memory_space<vmem>> -> memref<1x128x128xf32, #tpu.memory_space<vmem>>
    %dma_wait3A_81 = tpu.memref_squeeze %dma_wait3A_80 : memref<1x128x128xf32, #tpu.memory_space<vmem>> -> memref<128x128xf32, #tpu.memory_space<vmem>>
    %dma_wait3A_82 = arith.constant 0 : i32
    %dma_wait3A_83 = tpu.memref_slice %arg5[%dma_wait3A_76, %dma_wait3A_82] : memref<4x128xi32, #tpu.memory_space<vmem>> -> memref<1x128xi32, #tpu.memory_space<vmem>>
    %dma_wait3A_84 = tpu.memref_squeeze %dma_wait3A_83 : memref<1x128xi32, #tpu.memory_space<vmem>> -> memref<128xi32, #tpu.memory_space<vmem>>
    %dma_wait3A_85 = arith.constant 0 : i32
    %dma_wait3A_86 = arith.constant 0 : i32
    %dma_wait3A_87 = tpu.memref_slice %arg3[%dma_wait3A_85, %dma_wait3A_86] : memref<100000x128xf32, #tpu.memory_space<hbm>> -> memref<100000x128xf32, #tpu.memory_space<hbm>>
    tpu.wait_indirect_dma semaphore(%arg8 : memref<!tpu.dma_semaphore, #tpu.memory_space<semaphore_mem>>) src(%dma_wait3A_87 : memref<100000x128xf32, #tpu.memory_space<hbm>>) dst(%dma_wait3A_81 : memref<128x128xf32, #tpu.memory_space<vmem>>)
    %add3A_88 = arith.constant 128 : i32
    %add3A_89 = arith.addi %mul3A_2, %add3A_88 : i32
    %dma_start3A_90 = arith.constant 1 : i32
    %dma_start3A_91 = arith.constant 0 : i32
    %dma_start3A_92 = arith.constant 0 : i32
    %dma_start3A_93 = tpu.memref_slice %arg6[%dma_start3A_90, %dma_start3A_91, %dma_start3A_92] : memref<4x128x128xf32, #tpu.memory_space<vmem>> -> memref<1x128x128xf32, #tpu.memory_space<vmem>>
    %dma_start3A_94 = tpu.memref_squeeze %dma_start3A_93 : memref<1x128x128xf32, #tpu.memory_space<vmem>> -> memref<128x128xf32, #tpu.memory_space<vmem>>
    %dma_start3A_95 = arith.constant 0 : i32
    %dma_start3A_96 = tpu.memref_slice %arg4[%add3A_89, %dma_start3A_95] : memref<16384x128xf32, #tpu.memory_space<hbm>> -> memref<128x128xf32, #tpu.memory_space<hbm>>
    %dma_start3A_97 = arith.constant 0 : i32
    %dma_start3A_98 = tpu.memref_slice %arg4[%add3A_89, %dma_start3A_97] : memref<16384x128xf32, #tpu.memory_space<hbm>> -> memref<128x128xf32, #tpu.memory_space<hbm>>
    %dma_start3A_99 = arith.constant 0 : i32
    %dma_start3A_100 = arith.constant 0 : i32
    %dma_start3A_101 = tpu.memref_slice %arg6[%dma_start3A_90, %dma_start3A_99, %dma_start3A_100] : memref<4x128x128xf32, #tpu.memory_space<vmem>> -> memref<1x128x128xf32, #tpu.memory_space<vmem>>
    %dma_start3A_102 = tpu.memref_squeeze %dma_start3A_101 : memref<1x128x128xf32, #tpu.memory_space<vmem>> -> memref<128x128xf32, #tpu.memory_space<vmem>>
    tpu.enqueue_dma source(%dma_start3A_102 : memref<128x128xf32, #tpu.memory_space<vmem>>) target(%dma_start3A_98 : memref<128x128xf32, #tpu.memory_space<hbm>>) target_semaphore(%arg12 : memref<!tpu.dma_semaphore, #tpu.memory_space<semaphore_mem>>)
    %dma_wait3A_103 = arith.constant 2 : i32
    %dma_wait3A_104 = arith.constant 2 : i32
    %dma_wait3A_105 = arith.constant 0 : i32
    %dma_wait3A_106 = arith.constant 0 : i32
    %dma_wait3A_107 = tpu.memref_slice %arg6[%dma_wait3A_104, %dma_wait3A_105, %dma_wait3A_106] : memref<4x128x128xf32, #tpu.memory_space<vmem>> -> memref<1x128x128xf32, #tpu.memory_space<vmem>>
    %dma_wait3A_108 = tpu.memref_squeeze %dma_wait3A_107 : memref<1x128x128xf32, #tpu.memory_space<vmem>> -> memref<128x128xf32, #tpu.memory_space<vmem>>
    %dma_wait3A_109 = arith.constant 0 : i32
    %dma_wait3A_110 = tpu.memref_slice %arg5[%dma_wait3A_103, %dma_wait3A_109] : memref<4x128xi32, #tpu.memory_space<vmem>> -> memref<1x128xi32, #tpu.memory_space<vmem>>
    %dma_wait3A_111 = tpu.memref_squeeze %dma_wait3A_110 : memref<1x128xi32, #tpu.memory_space<vmem>> -> memref<128xi32, #tpu.memory_space<vmem>>
    %dma_wait3A_112 = arith.constant 0 : i32
    %dma_wait3A_113 = arith.constant 0 : i32
    %dma_wait3A_114 = tpu.memref_slice %arg3[%dma_wait3A_112, %dma_wait3A_113] : memref<100000x128xf32, #tpu.memory_space<hbm>> -> memref<100000x128xf32, #tpu.memory_space<hbm>>
    tpu.wait_indirect_dma semaphore(%arg9 : memref<!tpu.dma_semaphore, #tpu.memory_space<semaphore_mem>>) src(%dma_wait3A_114 : memref<100000x128xf32, #tpu.memory_space<hbm>>) dst(%dma_wait3A_108 : memref<128x128xf32, #tpu.memory_space<vmem>>)
    %add3A_115 = arith.constant 256 : i32
    %add3A_116 = arith.addi %mul3A_2, %add3A_115 : i32
    %dma_start3A_117 = arith.constant 2 : i32
    %dma_start3A_118 = arith.constant 0 : i32
    %dma_start3A_119 = arith.constant 0 : i32
    %dma_start3A_120 = tpu.memref_slice %arg6[%dma_start3A_117, %dma_start3A_118, %dma_start3A_119] : memref<4x128x128xf32, #tpu.memory_space<vmem>> -> memref<1x128x128xf32, #tpu.memory_space<vmem>>
    %dma_start3A_121 = tpu.memref_squeeze %dma_start3A_120 : memref<1x128x128xf32, #tpu.memory_space<vmem>> -> memref<128x128xf32, #tpu.memory_space<vmem>>
    %dma_start3A_122 = arith.constant 0 : i32
    %dma_start3A_123 = tpu.memref_slice %arg4[%add3A_116, %dma_start3A_122] : memref<16384x128xf32, #tpu.memory_space<hbm>> -> memref<128x128xf32, #tpu.memory_space<hbm>>
    %dma_start3A_124 = arith.constant 0 : i32
    %dma_start3A_125 = tpu.memref_slice %arg4[%add3A_116, %dma_start3A_124] : memref<16384x128xf32, #tpu.memory_space<hbm>> -> memref<128x128xf32, #tpu.memory_space<hbm>>
    %dma_start3A_126 = arith.constant 0 : i32
    %dma_start3A_127 = arith.constant 0 : i32
    %dma_start3A_128 = tpu.memref_slice %arg6[%dma_start3A_117, %dma_start3A_126, %dma_start3A_127] : memref<4x128x128xf32, #tpu.memory_space<vmem>> -> memref<1x128x128xf32, #tpu.memory_space<vmem>>
    %dma_start3A_129 = tpu.memref_squeeze %dma_start3A_128 : memref<1x128x128xf32, #tpu.memory_space<vmem>> -> memref<128x128xf32, #tpu.memory_space<vmem>>
    tpu.enqueue_dma source(%dma_start3A_129 : memref<128x128xf32, #tpu.memory_space<vmem>>) target(%dma_start3A_125 : memref<128x128xf32, #tpu.memory_space<hbm>>) target_semaphore(%arg13 : memref<!tpu.dma_semaphore, #tpu.memory_space<semaphore_mem>>)
    %dma_wait3A_130 = arith.constant 3 : i32
    %dma_wait3A_131 = arith.constant 3 : i32
    %dma_wait3A_132 = arith.constant 0 : i32
    %dma_wait3A_133 = arith.constant 0 : i32
    %dma_wait3A_134 = tpu.memref_slice %arg6[%dma_wait3A_131, %dma_wait3A_132, %dma_wait3A_133] : memref<4x128x128xf32, #tpu.memory_space<vmem>> -> memref<1x128x128xf32, #tpu.memory_space<vmem>>
    %dma_wait3A_135 = tpu.memref_squeeze %dma_wait3A_134 : memref<1x128x128xf32, #tpu.memory_space<vmem>> -> memref<128x128xf32, #tpu.memory_space<vmem>>
    %dma_wait3A_136 = arith.constant 0 : i32
    %dma_wait3A_137 = tpu.memref_slice %arg5[%dma_wait3A_130, %dma_wait3A_136] : memref<4x128xi32, #tpu.memory_space<vmem>> -> memref<1x128xi32, #tpu.memory_space<vmem>>
    %dma_wait3A_138 = tpu.memref_squeeze %dma_wait3A_137 : memref<1x128xi32, #tpu.memory_space<vmem>> -> memref<128xi32, #tpu.memory_space<vmem>>
    %dma_wait3A_139 = arith.constant 0 : i32
    %dma_wait3A_140 = arith.constant 0 : i32
    %dma_wait3A_141 = tpu.memref_slice %arg3[%dma_wait3A_139, %dma_wait3A_140] : memref<100000x128xf32, #tpu.memory_space<hbm>> -> memref<100000x128xf32, #tpu.memory_space<hbm>>
    tpu.wait_indirect_dma semaphore(%arg10 : memref<!tpu.dma_semaphore, #tpu.memory_space<semaphore_mem>>) src(%dma_wait3A_141 : memref<100000x128xf32, #tpu.memory_space<hbm>>) dst(%dma_wait3A_135 : memref<128x128xf32, #tpu.memory_space<vmem>>)
    %add3A_142 = arith.constant 384 : i32
    %add3A_143 = arith.addi %mul3A_2, %add3A_142 : i32
    %dma_start3A_144 = arith.constant 3 : i32
    %dma_start3A_145 = arith.constant 0 : i32
    %dma_start3A_146 = arith.constant 0 : i32
    %dma_start3A_147 = tpu.memref_slice %arg6[%dma_start3A_144, %dma_start3A_145, %dma_start3A_146] : memref<4x128x128xf32, #tpu.memory_space<vmem>> -> memref<1x128x128xf32, #tpu.memory_space<vmem>>
    %dma_start3A_148 = tpu.memref_squeeze %dma_start3A_147 : memref<1x128x128xf32, #tpu.memory_space<vmem>> -> memref<128x128xf32, #tpu.memory_space<vmem>>
    %dma_start3A_149 = arith.constant 0 : i32
    %dma_start3A_150 = tpu.memref_slice %arg4[%add3A_143, %dma_start3A_149] : memref<16384x128xf32, #tpu.memory_space<hbm>> -> memref<128x128xf32, #tpu.memory_space<hbm>>
    %dma_start3A_151 = arith.constant 0 : i32
    %dma_start3A_152 = tpu.memref_slice %arg4[%add3A_143, %dma_start3A_151] : memref<16384x128xf32, #tpu.memory_space<hbm>> -> memref<128x128xf32, #tpu.memory_space<hbm>>
    %dma_start3A_153 = arith.constant 0 : i32
    %dma_start3A_154 = arith.constant 0 : i32
    %dma_start3A_155 = tpu.memref_slice %arg6[%dma_start3A_144, %dma_start3A_153, %dma_start3A_154] : memref<4x128x128xf32, #tpu.memory_space<vmem>> -> memref<1x128x128xf32, #tpu.memory_space<vmem>>
    %dma_start3A_156 = tpu.memref_squeeze %dma_start3A_155 : memref<1x128x128xf32, #tpu.memory_space<vmem>> -> memref<128x128xf32, #tpu.memory_space<vmem>>
    tpu.enqueue_dma source(%dma_start3A_156 : memref<128x128xf32, #tpu.memory_space<vmem>>) target(%dma_start3A_152 : memref<128x128xf32, #tpu.memory_space<hbm>>) target_semaphore(%arg14 : memref<!tpu.dma_semaphore, #tpu.memory_space<semaphore_mem>>)
    %dma_wait3A_157 = arith.constant 0 : i32
    %dma_wait3A_158 = arith.constant 0 : i32
    %dma_wait3A_159 = arith.constant 0 : i32
    %dma_wait3A_160 = tpu.memref_slice %arg6[%dma_wait3A_157, %dma_wait3A_158, %dma_wait3A_159] : memref<4x128x128xf32, #tpu.memory_space<vmem>> -> memref<1x128x128xf32, #tpu.memory_space<vmem>>
    %dma_wait3A_161 = tpu.memref_squeeze %dma_wait3A_160 : memref<1x128x128xf32, #tpu.memory_space<vmem>> -> memref<128x128xf32, #tpu.memory_space<vmem>>
    %dma_wait3A_162 = arith.constant 0 : i32
    %dma_wait3A_163 = tpu.memref_slice %arg4[%add3A_62, %dma_wait3A_162] : memref<16384x128xf32, #tpu.memory_space<hbm>> -> memref<128x128xf32, #tpu.memory_space<hbm>>
    %dma_wait3A_164 = arith.constant 0 : i32
    %dma_wait3A_165 = tpu.memref_slice %arg4[%add3A_62, %dma_wait3A_164] : memref<16384x128xf32, #tpu.memory_space<hbm>> -> memref<128x128xf32, #tpu.memory_space<hbm>>
    %dma_wait3A_166 = arith.constant 0 : i32
    %dma_wait3A_167 = arith.constant 0 : i32
    %dma_wait3A_168 = tpu.memref_slice %arg6[%dma_wait3A_157, %dma_wait3A_166, %dma_wait3A_167] : memref<4x128x128xf32, #tpu.memory_space<vmem>> -> memref<1x128x128xf32, #tpu.memory_space<vmem>>
    %dma_wait3A_169 = tpu.memref_squeeze %dma_wait3A_168 : memref<1x128x128xf32, #tpu.memory_space<vmem>> -> memref<128x128xf32, #tpu.memory_space<vmem>>
    tpu.wait_dma2 semaphore(%arg11 : memref<!tpu.dma_semaphore, #tpu.memory_space<semaphore_mem>>) src(%dma_wait3A_169 : memref<128x128xf32, #tpu.memory_space<vmem>>) dst(%dma_wait3A_165 : memref<128x128xf32, #tpu.memory_space<hbm>>)
    %dma_wait3A_170 = arith.constant 1 : i32
    %dma_wait3A_171 = arith.constant 0 : i32
    %dma_wait3A_172 = arith.constant 0 : i32
    %dma_wait3A_173 = tpu.memref_slice %arg6[%dma_wait3A_170, %dma_wait3A_171, %dma_wait3A_172] : memref<4x128x128xf32, #tpu.memory_space<vmem>> -> memref<1x128x128xf32, #tpu.memory_space<vmem>>
    %dma_wait3A_174 = tpu.memref_squeeze %dma_wait3A_173 : memref<1x128x128xf32, #tpu.memory_space<vmem>> -> memref<128x128xf32, #tpu.memory_space<vmem>>
    %dma_wait3A_175 = arith.constant 0 : i32
    %dma_wait3A_176 = tpu.memref_slice %arg4[%add3A_89, %dma_wait3A_175] : memref<16384x128xf32, #tpu.memory_space<hbm>> -> memref<128x128xf32, #tpu.memory_space<hbm>>
    %dma_wait3A_177 = arith.constant 0 : i32
    %dma_wait3A_178 = tpu.memref_slice %arg4[%add3A_89, %dma_wait3A_177] : memref<16384x128xf32, #tpu.memory_space<hbm>> -> memref<128x128xf32, #tpu.memory_space<hbm>>
    %dma_wait3A_179 = arith.constant 0 : i32
    %dma_wait3A_180 = arith.constant 0 : i32
    %dma_wait3A_181 = tpu.memref_slice %arg6[%dma_wait3A_170, %dma_wait3A_179, %dma_wait3A_180] : memref<4x128x128xf32, #tpu.memory_space<vmem>> -> memref<1x128x128xf32, #tpu.memory_space<vmem>>
    %dma_wait3A_182 = tpu.memref_squeeze %dma_wait3A_181 : memref<1x128x128xf32, #tpu.memory_space<vmem>> -> memref<128x128xf32, #tpu.memory_space<vmem>>
    tpu.wait_dma2 semaphore(%arg12 : memref<!tpu.dma_semaphore, #tpu.memory_space<semaphore_mem>>) src(%dma_wait3A_182 : memref<128x128xf32, #tpu.memory_space<vmem>>) dst(%dma_wait3A_178 : memref<128x128xf32, #tpu.memory_space<hbm>>)
    %dma_wait3A_183 = arith.constant 2 : i32
    %dma_wait3A_184 = arith.constant 0 : i32
    %dma_wait3A_185 = arith.constant 0 : i32
    %dma_wait3A_186 = tpu.memref_slice %arg6[%dma_wait3A_183, %dma_wait3A_184, %dma_wait3A_185] : memref<4x128x128xf32, #tpu.memory_space<vmem>> -> memref<1x128x128xf32, #tpu.memory_space<vmem>>
    %dma_wait3A_187 = tpu.memref_squeeze %dma_wait3A_186 : memref<1x128x128xf32, #tpu.memory_space<vmem>> -> memref<128x128xf32, #tpu.memory_space<vmem>>
    %dma_wait3A_188 = arith.constant 0 : i32
    %dma_wait3A_189 = tpu.memref_slice %arg4[%add3A_116, %dma_wait3A_188] : memref<16384x128xf32, #tpu.memory_space<hbm>> -> memref<128x128xf32, #tpu.memory_space<hbm>>
    %dma_wait3A_190 = arith.constant 0 : i32
    %dma_wait3A_191 = tpu.memref_slice %arg4[%add3A_116, %dma_wait3A_190] : memref<16384x128xf32, #tpu.memory_space<hbm>> -> memref<128x128xf32, #tpu.memory_space<hbm>>
    %dma_wait3A_192 = arith.constant 0 : i32
    %dma_wait3A_193 = arith.constant 0 : i32
    %dma_wait3A_194 = tpu.memref_slice %arg6[%dma_wait3A_183, %dma_wait3A_192, %dma_wait3A_193] : memref<4x128x128xf32, #tpu.memory_space<vmem>> -> memref<1x128x128xf32, #tpu.memory_space<vmem>>
    %dma_wait3A_195 = tpu.memref_squeeze %dma_wait3A_194 : memref<1x128x128xf32, #tpu.memory_space<vmem>> -> memref<128x128xf32, #tpu.memory_space<vmem>>
    tpu.wait_dma2 semaphore(%arg13 : memref<!tpu.dma_semaphore, #tpu.memory_space<semaphore_mem>>) src(%dma_wait3A_195 : memref<128x128xf32, #tpu.memory_space<vmem>>) dst(%dma_wait3A_191 : memref<128x128xf32, #tpu.memory_space<hbm>>)
    %dma_wait3A_196 = arith.constant 3 : i32
    %dma_wait3A_197 = arith.constant 0 : i32
    %dma_wait3A_198 = arith.constant 0 : i32
    %dma_wait3A_199 = tpu.memref_slice %arg6[%dma_wait3A_196, %dma_wait3A_197, %dma_wait3A_198] : memref<4x128x128xf32, #tpu.memory_space<vmem>> -> memref<1x128x128xf32, #tpu.memory_space<vmem>>
    %dma_wait3A_200 = tpu.memref_squeeze %dma_wait3A_199 : memref<1x128x128xf32, #tpu.memory_space<vmem>> -> memref<128x128xf32, #tpu.memory_space<vmem>>
    %dma_wait3A_201 = arith.constant 0 : i32
    %dma_wait3A_202 = tpu.memref_slice %arg4[%add3A_143, %dma_wait3A_201] : memref<16384x128xf32, #tpu.memory_space<hbm>> -> memref<128x128xf32, #tpu.memory_space<hbm>>
    %dma_wait3A_203 = arith.constant 0 : i32
    %dma_wait3A_204 = tpu.memref_slice %arg4[%add3A_143, %dma_wait3A_203] : memref<16384x128xf32, #tpu.memory_space<hbm>> -> memref<128x128xf32, #tpu.memory_space<hbm>>
    %dma_wait3A_205 = arith.constant 0 : i32
    %dma_wait3A_206 = arith.constant 0 : i32
    %dma_wait3A_207 = tpu.memref_slice %arg6[%dma_wait3A_196, %dma_wait3A_205, %dma_wait3A_206] : memref<4x128x128xf32, #tpu.memory_space<vmem>> -> memref<1x128x128xf32, #tpu.memory_space<vmem>>
    %dma_wait3A_208 = tpu.memref_squeeze %dma_wait3A_207 : memref<1x128x128xf32, #tpu.memory_space<vmem>> -> memref<128x128xf32, #tpu.memory_space<vmem>>
    tpu.wait_dma2 semaphore(%arg14 : memref<!tpu.dma_semaphore, #tpu.memory_space<semaphore_mem>>) src(%dma_wait3A_208 : memref<128x128xf32, #tpu.memory_space<vmem>>) dst(%dma_wait3A_204 : memref<128x128xf32, #tpu.memory_space<hbm>>)
    return
  }
}

module attributes {stable_mosaic.version = 14 : i64} {
  func.func @_mlp_body(%arg0: i32, %arg1: memref<4096x128xf32, #tpu.memory_space<vmem>>, %arg2: memref<1x128xf32, #tpu.memory_space<vmem>>, %arg3: memref<1x128xf32, #tpu.memory_space<vmem>>, %arg4: memref<256x256xf32, #tpu.memory_space<vmem>>, %arg5: memref<1x256xf32, #tpu.memory_space<vmem>>, %arg6: memref<256x128xf32, #tpu.memory_space<vmem>>, %arg7: memref<1x128xf32, #tpu.memory_space<vmem>>, %arg8: memref<128x64xf32, #tpu.memory_space<vmem>>, %arg9: memref<1x64xf32, #tpu.memory_space<vmem>>, %arg10: memref<1x64xf32, #tpu.memory_space<vmem>>, %arg11: memref<1x1xf32, #tpu.memory_space<vmem>>, %arg12: memref<1x4096xf32, #tpu.memory_space<vmem>>, %arg13: memref<1x256xbf16, #tpu.memory_space<vmem>>, %arg14: memref<128x256xbf16, #tpu.memory_space<vmem>>, %arg15: memref<256x128xbf16, #tpu.memory_space<vmem>>, %arg16: memref<128x64xbf16, #tpu.memory_space<vmem>>, %arg17: memref<1x64xbf16, #tpu.memory_space<vmem>>, %arg18: memref<1x128xbf16, #tpu.memory_space<vmem>>, %arg19: memref<1x64xbf16, #tpu.memory_space<vmem>>) attributes {dimension_semantics = [#tpu.dimension_semantics<arbitrary>], iteration_bounds = array<i64: 4>, scalar_prefetch = 0 : i64, scratch_operands = 7 : i64, tpu.core_type = #tpu.core_type<tc>, window_params = [{transform_indices = @transform_0, window_bounds = array<i64: 4096, 128>}, {pipeline_mode = #tpu.pipeline_mode<synchronous>, transform_indices = @transform_1, window_bounds = array<i64: 1, 128>}, {pipeline_mode = #tpu.pipeline_mode<synchronous>, transform_indices = @transform_2, window_bounds = array<i64: 1, 128>}, {pipeline_mode = #tpu.pipeline_mode<synchronous>, transform_indices = @transform_3, window_bounds = array<i64: 256, 256>}, {pipeline_mode = #tpu.pipeline_mode<synchronous>, transform_indices = @transform_4, window_bounds = array<i64: 1, 256>}, {pipeline_mode = #tpu.pipeline_mode<synchronous>, transform_indices = @transform_5, window_bounds = array<i64: 256, 128>}, {pipeline_mode = #tpu.pipeline_mode<synchronous>, transform_indices = @transform_6, window_bounds = array<i64: 1, 128>}, {pipeline_mode = #tpu.pipeline_mode<synchronous>, transform_indices = @transform_7, window_bounds = array<i64: 128, 64>}, {pipeline_mode = #tpu.pipeline_mode<synchronous>, transform_indices = @transform_8, window_bounds = array<i64: 1, 64>}, {pipeline_mode = #tpu.pipeline_mode<synchronous>, transform_indices = @transform_9, window_bounds = array<i64: 1, 64>}, {pipeline_mode = #tpu.pipeline_mode<synchronous>, transform_indices = @transform_10, window_bounds = array<i64: 1, 1>}, {transform_indices = @transform_11, window_bounds = array<i64: 1, 4096>}]} {
    %eq3A = arith.constant 0 : i32
    %eq3A_0 = arith.cmpi eq, %arg0, %eq3A : i32
    %convert_element_type3A = arith.extui %eq3A_0 : i1 to i32
    %cond3A = arith.constant 0 : i32
    %cond3A_1 = arith.cmpi ne, %convert_element_type3A, %cond3A : i32
    scf.if %cond3A_1 {
      %get3A_61 = arith.constant 0 : index
      %get3A_62 = arith.constant 0 : index
      %get3A_63 = vector.load %arg2[%get3A_61, %get3A_62] : memref<1x128xf32, #tpu.memory_space<vmem>>, vector<1x128xf32>
      %get3A_64 = arith.constant 0 : index
      %get3A_65 = arith.constant 0 : index
      %get3A_66 = vector.load %arg3[%get3A_64, %get3A_65] : memref<1x128xf32, #tpu.memory_space<vmem>>, vector<1x128xf32>
      %add3A_67 = arith.addf %get3A_63, %get3A_66 : vector<1x128xf32>
      %get3A_68 = arith.constant 0 : index
      %get3A_69 = arith.constant 0 : index
      %get3A_70 = vector.load %arg4[%get3A_68, %get3A_69] : memref<256x256xf32, #tpu.memory_space<vmem>>, vector<128x256xf32>
      %dot_general3A_71 = arith.constant dense<0.000000e+00> : vector<1x256xf32>
      %dot_general3A_72 = tpu.matmul %add3A_67, %get3A_70, %dot_general3A_71 {dimension_numbers = #tpu.dot_dimension_numbers<[1], [0], [0], [1], [0, 0, 1, 1], [], []>, transpose_lhs_hint = false} : vector<1x128xf32>, vector<128x256xf32>, vector<1x256xf32> -> vector<1x256xf32>
      %get3A_73 = arith.constant 0 : index
      %get3A_74 = arith.constant 0 : index
      %get3A_75 = vector.load %arg5[%get3A_73, %get3A_74] : memref<1x256xf32, #tpu.memory_space<vmem>>, vector<1x256xf32>
      %add3A_76 = arith.addf %dot_general3A_72, %get3A_75 : vector<1x256xf32>
      %convert_element_type3A_77 = arith.truncf %add3A_76 : vector<1x256xf32> to vector<1x256xbf16>
      %swap3A_78 = arith.constant 0 : index
      %swap3A_79 = arith.constant 0 : index
      %swap3A_80 = vector.load %arg13[%swap3A_78, %swap3A_79] : memref<1x256xbf16, #tpu.memory_space<vmem>>, vector<1x256xbf16>
      tpu.vector_store %arg13[%swap3A_78, %swap3A_79], %convert_element_type3A_77 {strides = array<i32>} : memref<1x256xbf16, #tpu.memory_space<vmem>>, vector<1x256xbf16>,
      %get3A_81 = arith.constant 128 : index
      %get3A_82 = arith.constant 0 : index
      %get3A_83 = vector.load %arg4[%get3A_81, %get3A_82] : memref<256x256xf32, #tpu.memory_space<vmem>>, vector<128x256xf32>
      %convert_element_type3A_84 = arith.truncf %get3A_83 : vector<128x256xf32> to vector<128x256xbf16>
      %swap3A_85 = arith.constant 0 : index
      %swap3A_86 = arith.constant 0 : index
      %swap3A_87 = vector.load %arg14[%swap3A_85, %swap3A_86] : memref<128x256xbf16, #tpu.memory_space<vmem>>, vector<128x256xbf16>
      tpu.vector_store %arg14[%swap3A_85, %swap3A_86], %convert_element_type3A_84 {strides = array<i32>} : memref<128x256xbf16, #tpu.memory_space<vmem>>, vector<128x256xbf16>,
      %get3A_88 = arith.constant 0 : index
      %get3A_89 = arith.constant 0 : index
      %get3A_90 = vector.load %arg6[%get3A_88, %get3A_89] : memref<256x128xf32, #tpu.memory_space<vmem>>, vector<256x128xf32>
      %convert_element_type3A_91 = arith.truncf %get3A_90 : vector<256x128xf32> to vector<256x128xbf16>
      %swap3A_92 = arith.constant 0 : index
      %swap3A_93 = arith.constant 0 : index
      %swap3A_94 = vector.load %arg15[%swap3A_92, %swap3A_93] : memref<256x128xbf16, #tpu.memory_space<vmem>>, vector<256x128xbf16>
      tpu.vector_store %arg15[%swap3A_92, %swap3A_93], %convert_element_type3A_91 {strides = array<i32>} : memref<256x128xbf16, #tpu.memory_space<vmem>>, vector<256x128xbf16>,
      %get3A_95 = arith.constant 0 : index
      %get3A_96 = arith.constant 0 : index
      %get3A_97 = vector.load %arg8[%get3A_95, %get3A_96] : memref<128x64xf32, #tpu.memory_space<vmem>>, vector<128x64xf32>
      %convert_element_type3A_98 = arith.truncf %get3A_97 : vector<128x64xf32> to vector<128x64xbf16>
      %swap3A_99 = arith.constant 0 : index
      %swap3A_100 = arith.constant 0 : index
      %swap3A_101 = vector.load %arg16[%swap3A_99, %swap3A_100] : memref<128x64xbf16, #tpu.memory_space<vmem>>, vector<128x64xbf16>
      tpu.vector_store %arg16[%swap3A_99, %swap3A_100], %convert_element_type3A_98 {strides = array<i32>} : memref<128x64xbf16, #tpu.memory_space<vmem>>, vector<128x64xbf16>,
      %get3A_102 = arith.constant 0 : index
      %get3A_103 = arith.constant 0 : index
      %get3A_104 = vector.load %arg10[%get3A_102, %get3A_103] : memref<1x64xf32, #tpu.memory_space<vmem>>, vector<1x64xf32>
      %convert_element_type3A_105 = arith.truncf %get3A_104 : vector<1x64xf32> to vector<1x64xbf16>
      %swap3A_106 = arith.constant 0 : index
      %swap3A_107 = arith.constant 0 : index
      %swap3A_108 = vector.load %arg17[%swap3A_106, %swap3A_107] : memref<1x64xbf16, #tpu.memory_space<vmem>>, vector<1x64xbf16>
      tpu.vector_store %arg17[%swap3A_106, %swap3A_107], %convert_element_type3A_105 {strides = array<i32>} : memref<1x64xbf16, #tpu.memory_space<vmem>>, vector<1x64xbf16>,
      %get3A_109 = arith.constant 0 : index
      %get3A_110 = arith.constant 0 : index
      %get3A_111 = vector.load %arg7[%get3A_109, %get3A_110] : memref<1x128xf32, #tpu.memory_space<vmem>>, vector<1x128xf32>
      %convert_element_type3A_112 = arith.truncf %get3A_111 : vector<1x128xf32> to vector<1x128xbf16>
      %swap3A_113 = arith.constant 0 : index
      %swap3A_114 = arith.constant 0 : index
      %swap3A_115 = vector.load %arg18[%swap3A_113, %swap3A_114] : memref<1x128xbf16, #tpu.memory_space<vmem>>, vector<1x128xbf16>
      tpu.vector_store %arg18[%swap3A_113, %swap3A_114], %convert_element_type3A_112 {strides = array<i32>} : memref<1x128xbf16, #tpu.memory_space<vmem>>, vector<1x128xbf16>,
      %get3A_116 = arith.constant 0 : index
      %get3A_117 = arith.constant 0 : index
      %get3A_118 = vector.load %arg9[%get3A_116, %get3A_117] : memref<1x64xf32, #tpu.memory_space<vmem>>, vector<1x64xf32>
      %convert_element_type3A_119 = arith.truncf %get3A_118 : vector<1x64xf32> to vector<1x64xbf16>
      %swap3A_120 = arith.constant 0 : index
      %swap3A_121 = arith.constant 0 : index
      %swap3A_122 = vector.load %arg19[%swap3A_120, %swap3A_121] : memref<1x64xbf16, #tpu.memory_space<vmem>>, vector<1x64xbf16>
      tpu.vector_store %arg19[%swap3A_120, %swap3A_121], %convert_element_type3A_119 {strides = array<i32>} : memref<1x64xbf16, #tpu.memory_space<vmem>>, vector<1x64xbf16>,
    } else {
    }
    %get3A = arith.constant 0 : index
    %get3A_2 = arith.constant 0 : index
    %get3A_3 = vector.load %arg13[%get3A, %get3A_2] : memref<1x256xbf16, #tpu.memory_space<vmem>>, vector<1x256xbf16>
    %get3A_4 = arith.constant 0 : index
    %get3A_5 = arith.constant 0 : index
    %get3A_6 = vector.load %arg1[%get3A_4, %get3A_5] : memref<4096x128xf32, #tpu.memory_space<vmem>>, vector<4096x128xf32>
    %convert_element_type3A_7 = arith.truncf %get3A_6 : vector<4096x128xf32> to vector<4096x128xbf16>
    %get3A_8 = arith.constant 0 : index
    %get3A_9 = arith.constant 0 : index
    %get3A_10 = vector.load %arg14[%get3A_8, %get3A_9] : memref<128x256xbf16, #tpu.memory_space<vmem>>, vector<128x256xbf16>
    %dot_general3A = arith.constant dense<0.000000e+00> : vector<4096x256xf32>
    %dot_general3A_11 = tpu.matmul %convert_element_type3A_7, %get3A_10, %dot_general3A {dimension_numbers = #tpu.dot_dimension_numbers<[1], [0], [0], [1], [0, 0, 1, 1], [], []>, transpose_lhs_hint = false} : vector<4096x128xbf16>, vector<128x256xbf16>, vector<4096x256xf32> -> vector<4096x256xf32>
    %convert_element_type3A_12 = arith.truncf %dot_general3A_11 : vector<4096x256xf32> to vector<4096x256xbf16>
    %add3A = vector.broadcast %get3A_3 : vector<1x256xbf16> to vector<4096x256xbf16>
    %add3A_13 = arith.addf %convert_element_type3A_12, %add3A : vector<4096x256xbf16>
    %max3A = arith.constant 0.000000e+00 : bf16
    %max3A_14 = vector.broadcast %max3A : bf16 to vector<4096x256xbf16>
    %max3A_15 = arith.maximumf %add3A_13, %max3A_14 : vector<4096x256xbf16>
    %get3A_16 = arith.constant 0 : index
    %get3A_17 = arith.constant 0 : index
    %get3A_18 = vector.load %arg15[%get3A_16, %get3A_17] : memref<256x128xbf16, #tpu.memory_space<vmem>>, vector<256x128xbf16>
    %dot_general3A_19 = arith.constant dense<0.000000e+00> : vector<4096x128xf32>
    %dot_general3A_20 = tpu.matmul %max3A_15, %get3A_18, %dot_general3A_19 {dimension_numbers = #tpu.dot_dimension_numbers<[1], [0], [0], [1], [0, 0, 1, 1], [], []>, transpose_lhs_hint = false} : vector<4096x256xbf16>, vector<256x128xbf16>, vector<4096x128xf32> -> vector<4096x128xf32>
    %convert_element_type3A_21 = arith.truncf %dot_general3A_20 : vector<4096x128xf32> to vector<4096x128xbf16>
    %get3A_22 = arith.constant 0 : index
    %get3A_23 = arith.constant 0 : index
    %get3A_24 = vector.load %arg18[%get3A_22, %get3A_23] : memref<1x128xbf16, #tpu.memory_space<vmem>>, vector<1x128xbf16>
    %add3A_25 = vector.broadcast %get3A_24 : vector<1x128xbf16> to vector<4096x128xbf16>
    %add3A_26 = arith.addf %convert_element_type3A_21, %add3A_25 : vector<4096x128xbf16>
    %max3A_27 = arith.constant 0.000000e+00 : bf16
    %max3A_28 = vector.broadcast %max3A_27 : bf16 to vector<4096x128xbf16>
    %max3A_29 = arith.maximumf %add3A_26, %max3A_28 : vector<4096x128xbf16>
    %get3A_30 = arith.constant 0 : index
    %get3A_31 = arith.constant 0 : index
    %get3A_32 = vector.load %arg16[%get3A_30, %get3A_31] : memref<128x64xbf16, #tpu.memory_space<vmem>>, vector<128x64xbf16>
    %dot_general3A_33 = arith.constant dense<0.000000e+00> : vector<4096x64xf32>
    %dot_general3A_34 = tpu.matmul %max3A_29, %get3A_32, %dot_general3A_33 {dimension_numbers = #tpu.dot_dimension_numbers<[1], [0], [0], [1], [0, 0, 1, 1], [], []>, transpose_lhs_hint = false} : vector<4096x128xbf16>, vector<128x64xbf16>, vector<4096x64xf32> -> vector<4096x64xf32>
    %convert_element_type3A_35 = arith.truncf %dot_general3A_34 : vector<4096x64xf32> to vector<4096x64xbf16>
    %get3A_36 = arith.constant 0 : index
    %get3A_37 = arith.constant 0 : index
    %get3A_38 = vector.load %arg19[%get3A_36, %get3A_37] : memref<1x64xbf16, #tpu.memory_space<vmem>>, vector<1x64xbf16>
    %add3A_39 = vector.broadcast %get3A_38 : vector<1x64xbf16> to vector<4096x64xbf16>
    %add3A_40 = arith.addf %convert_element_type3A_35, %add3A_39 : vector<4096x64xbf16>
    %max3A_41 = arith.constant 0.000000e+00 : bf16
    %max3A_42 = vector.broadcast %max3A_41 : bf16 to vector<4096x64xbf16>
    %max3A_43 = arith.maximumf %add3A_40, %max3A_42 : vector<4096x64xbf16>
    %get3A_44 = arith.constant 0 : index
    %get3A_45 = arith.constant 0 : index
    %get3A_46 = vector.load %arg17[%get3A_44, %get3A_45] : memref<1x64xbf16, #tpu.memory_space<vmem>>, vector<1x64xbf16>
    %transpose3A = tpu.transpose %max3A_43, [1, 0] : vector<4096x64xbf16> -> vector<64x4096xbf16>
    %dot_general3A_47 = arith.constant dense<0.000000e+00> : vector<1x4096xf32>
    %dot_general3A_48 = tpu.matmul %get3A_46, %transpose3A, %dot_general3A_47 {dimension_numbers = #tpu.dot_dimension_numbers<[1], [0], [0], [1], [0, 0, 1, 1], [], []>, transpose_lhs_hint = false} : vector<1x64xbf16>, vector<64x4096xbf16>, vector<1x4096xf32> -> vector<1x4096xf32>
    %get3A_49 = arith.constant 0 : index
    %get3A_50 = arith.constant 0 : index
    %get3A_51 = vector.load %arg11[%get3A_49, %get3A_50] : memref<1x1xf32, #tpu.memory_space<vmem>>, vector<1x1xf32>
    %add3A_52 = vector.broadcast %get3A_51 : vector<1x1xf32> to vector<1x4096xf32>
    %add3A_53 = arith.addf %dot_general3A_48, %add3A_52 : vector<1x4096xf32>
    %logistic3A = arith.negf %add3A_53 : vector<1x4096xf32>
    %logistic3A_54 = math.exp %logistic3A : vector<1x4096xf32>
    %logistic3A_55 = arith.constant 1.000000e+00 : f32
    %logistic3A_56 = vector.broadcast %logistic3A_55 : f32 to vector<1x4096xf32>
    %logistic3A_57 = arith.addf %logistic3A_56, %logistic3A_54 : vector<1x4096xf32>
    %logistic3A_58 = arith.divf %logistic3A_56, %logistic3A_57 : vector<1x4096xf32>
    %swap3A = arith.constant 0 : index
    %swap3A_59 = arith.constant 0 : index
    %swap3A_60 = vector.load %arg12[%swap3A, %swap3A_59] : memref<1x4096xf32, #tpu.memory_space<vmem>>, vector<1x4096xf32>
    tpu.vector_store %arg12[%swap3A, %swap3A_59], %logistic3A_58 {strides = array<i32>} : memref<1x4096xf32, #tpu.memory_space<vmem>>, vector<1x4096xf32>,
    return
  }
  func.func @transform_0(%arg0: i32) -> (i32, i32) {
    %c0_i32 = arith.constant 0 : i32
    %c0_i32_0 = arith.constant 0 : i32
    return %arg0, %c0_i32 : i32, i32
  }
  func.func @transform_1(%arg0: i32) -> (i32, i32) {
    %c0_i32 = arith.constant 0 : i32
    %c0_i32_0 = arith.constant 0 : i32
    %c0_i32_1 = arith.constant 0 : i32
    return %c0_i32, %c0_i32_0 : i32, i32
  }
  func.func @transform_2(%arg0: i32) -> (i32, i32) {
    %c0_i32 = arith.constant 0 : i32
    %c0_i32_0 = arith.constant 0 : i32
    %c0_i32_1 = arith.constant 0 : i32
    return %c0_i32, %c0_i32_0 : i32, i32
  }
  func.func @transform_3(%arg0: i32) -> (i32, i32) {
    %c0_i32 = arith.constant 0 : i32
    %c0_i32_0 = arith.constant 0 : i32
    %c0_i32_1 = arith.constant 0 : i32
    return %c0_i32, %c0_i32_0 : i32, i32
  }
  func.func @transform_4(%arg0: i32) -> (i32, i32) {
    %c0_i32 = arith.constant 0 : i32
    %c0_i32_0 = arith.constant 0 : i32
    %c0_i32_1 = arith.constant 0 : i32
    return %c0_i32, %c0_i32_0 : i32, i32
  }
  func.func @transform_5(%arg0: i32) -> (i32, i32) {
    %c0_i32 = arith.constant 0 : i32
    %c0_i32_0 = arith.constant 0 : i32
    %c0_i32_1 = arith.constant 0 : i32
    return %c0_i32, %c0_i32_0 : i32, i32
  }
  func.func @transform_6(%arg0: i32) -> (i32, i32) {
    %c0_i32 = arith.constant 0 : i32
    %c0_i32_0 = arith.constant 0 : i32
    %c0_i32_1 = arith.constant 0 : i32
    return %c0_i32, %c0_i32_0 : i32, i32
  }
  func.func @transform_7(%arg0: i32) -> (i32, i32) {
    %c0_i32 = arith.constant 0 : i32
    %c0_i32_0 = arith.constant 0 : i32
    %c0_i32_1 = arith.constant 0 : i32
    return %c0_i32, %c0_i32_0 : i32, i32
  }
  func.func @transform_8(%arg0: i32) -> (i32, i32) {
    %c0_i32 = arith.constant 0 : i32
    %c0_i32_0 = arith.constant 0 : i32
    %c0_i32_1 = arith.constant 0 : i32
    return %c0_i32, %c0_i32_0 : i32, i32
  }
  func.func @transform_9(%arg0: i32) -> (i32, i32) {
    %c0_i32 = arith.constant 0 : i32
    %c0_i32_0 = arith.constant 0 : i32
    %c0_i32_1 = arith.constant 0 : i32
    return %c0_i32, %c0_i32_0 : i32, i32
  }
  func.func @transform_10(%arg0: i32) -> (i32, i32) {
    %c0_i32 = arith.constant 0 : i32
    %c0_i32_0 = arith.constant 0 : i32
    %c0_i32_1 = arith.constant 0 : i32
    return %c0_i32, %c0_i32_0 : i32, i32
  }
  func.func @transform_11(%arg0: i32) -> (i32, i32) {
    %c0_i32 = arith.constant 0 : i32
    %c0_i32_0 = arith.constant 0 : i32
    return %c0_i32, %arg0 : i32, i32
  }
}

</mosaic_0001>

<sc_bundles>
// kernel: kernel.4.cloned.1.call-start
scs
__scs_entry_jumppad:
0x0: {  	(pc) =	sbr.rel $0x88, $3  }
0x1: {  	(tag) =	ssettag $0x0;
	lr =	simm.s32 $0x1  }
0x2: {  	[smem:$0x3F95] =	sst lr;
	_ =	strace $0xD0000000  }
0x3: {  	_ = 	snop  }
0x4: {  	_ = 	snop  }
0x5: {  	_ = 	snop  }
0x6: {  	_ = 	snop  }
0x7: {  	_ = 	snop  }
__scs_overlays_trampoline_lowered:
0x8: {  	[smem:$0x3FA4] =	sst s0  }
0x9: {  	[smem:$0x3FA5] =	sst s1  }
0xa: {  	[smem:$0x3FA6] =	sst s2  }
0xb: {  	[smem:$0x3FA7] =	sst s3  }
0xc: {  	[smem:$0x3FA8] =	sst s4  }
0xd: {  	[smem:$0x3FA9] =	sst s5  }
0xe: {  	[smem:$0x3FAA] =	sst s6  }
0xf: {  	[smem:$0x3FAB] =	sst s7  }
0x10: {  	[smem:$0x3FAC] =	sst s8  }
0x11: {  	[smem:$0x3FAD] =	sst s9;
	s0 =	simm.s32 @!p0 $0x0  }
0x12: {  	s1 =	sld [smem:$0x3F93];
	s0 =	simm.s32 @p0 $0x1  }
0x13: {  	[smem:$0x3FAE] =	sst s0;
	s0 =	simm.s32 @!p1 $0x0  }
0x14: {  	s2 =	sld [smem:$0x3F92];
	s0 =	simm.s32 @p1 $0x1  }
0x15: {  	[smem:$0x3FAF] =	sst s0;
	s0 =	simm.s32 @!p2 $0x0  }
0x16: {  	s3 =	sld [smem:$0x3FDB];
	s0 =	simm.s32 @p2 $0x1  }
0x17: {  	s4 =	simm.s32 $0x1BF5;
	[smem:$0x3FB1] =	sst s0  }
0x18: {  	s0 =	sld [smem:$0x3F94];
	_ =	swait.ge [sflag:s4], $0x0  }
0x19: {  	s7 =	sld [smem:$0x3F95]  }
0x1a: {  	s8 =	sadd.s32 $0xFFFFE003, lr  }
0x1b: {  	s9 =	sadd.s32 $0xFFFFFEF7, lr;
	s5 =	simm.s32 $0xFFFFFFFF;
	p2 =	slt.u32 s8, $0xFFFFF086  }
0x1c: {  	p1 =	slt.u32 s9, $0xF7A;
	s5 =	simm.s32 @!p2 $0x0  }
0x1d: {  	s5 =	simm.s32 @p1 $0x1;
	p0 =	seq.s32 s7, s2  }
0x1e: {  	s7 =	smul.u32 @!p0 $0xF7A, s2;
	p2 =	seq.s32 @!p0 s5, $0x0  }
0x1f: {  	s9 =	smul.u32 $0xF7A, s1;
	s8 =	simm.s32 @!p0 $0x1BF5;
	p2 =	por !p2, p0  }
0x20: {  	[sflag:s8] =	ssyncset.s32 @!p0 $0xFFFFF086;
	s6 =	sadd.s32 @!p0 s3, s7;
	s7 =	simm.s32 @!p0 $0x108  }
0x21: {  	s3 =	sadd.s32 s3, s9;
	s6 =	sadd.s32 @!p0 $0x88, s6;
	s7 =	simm.s32 @p2 $0x1082  }
0x22: {  	[simem:s7], [sflag:s8] =	dma.local @!p0 [hbm:s6], $0xF7A  }
0x23: {  	s9 =	sor.u32 $0xD0000000, s2;
	s6 =	simm.s32 $0x108;
	_ =	swait.ge @!p0 [sflag:s8], $0x0  }
0x24: {  	s3 =	sadd.s32 $0x88, s3;
	s6 =	simm.s32 @!p1 $0x1082;
	[sflag:s4] =	ssyncset.s32 $0xFFFFF086  }
0x25: {  	[simem:s6], [sflag:s4] =	dma.local [hbm:s3], $0xF7A  }
0x26: {  	[smem:$0x3F95] =	sst s1;
	(tag) =	ssettag s2;
	_ =	strace s9  }
0x27: {  	s1 =	sld [smem:$0x3FA5]  }
0x28: {  	s2 =	sld [smem:$0x3FA6]  }
0x29: {  	s4 =	sld [smem:$0x3FA8]  }
0x2a: {  	p0 =	seq.s32 s5, $0x0;
	s5 =	sld [smem:$0x3FA9]  }
0x2b: {  	s6 =	sld [smem:$0x3FAA]  }
0x2c: {  	s7 =	sld [smem:$0x3FAB]  }
0x2d: {  	s3 =	simm.s32 $0x108;
	s8 =	sld [smem:$0x3FAC]  }
0x2e: {  	s3 =	simm.s32 @!p0 $0x1082;
	s9 =	sld [smem:$0x3FAD]  }
0x2f: {  	lr =	sadd.s32 s0, s3;
	s0 =	sld [smem:$0x3FA4]  }
0x30: {  	s3 =	sld [smem:$0x3FA7]  }
0x31: {  	[smem:$0x3FB0] =	sst s10  }
0x32: {  	s10 =	sld [smem:$0x3FAE];
	_ =	sdelay $0x3  }
0x33: {  	p0 =	seq.s32 s10, $0x1;
	s10 =	sld [smem:$0x3FB0];
	_ =	sdelay $0x3  }
0x34: {  	[smem:$0x3FB0] =	sst s10  }
0x35: {  	s10 =	sld [smem:$0x3FAF];
	_ =	sdelay $0x3  }
0x36: {  	p1 =	seq.s32 s10, $0x1;
	s10 =	sld [smem:$0x3FB0];
	_ =	sdelay $0x3  }
0x37: {  	[smem:$0x3FB0] =	sst s10  }
0x38: {  	s10 =	sld [smem:$0x3FB1]  }
0x39: {  	_ = 	snop;
	(pc) =	sbr.ind lr, $3  }
0x3a: {  	_ = 	snop  }
0x3b: {  	_ = 	snop  }
0x3c: {  	p2 =	seq.s32 s10, $0x1;
	s10 =	sld [smem:$0x3FB0]  }
0x3d: {  	_ =	shalt  }
0x3e: {  	_ =	shalt  }
0x3f: {  	_ =	shalt  }
0x40: {  	_ =	shalt  }
0x41: {  	_ =	shalt  }
0x42: {  	_ =	shalt  }
0x43: {  	_ =	shalt  }
0x44: {  	_ =	shalt  }
0x45: {  	_ =	shalt  }
0x46: {  	_ =	shalt  }
0x47: {  	_ =	shalt  }
0x48: {  	_ =	shalt  }
0x49: {  	_ =	shalt  }
0x4a: {  	_ =	shalt  }
0x4b: {  	_ =	shalt  }
0x4c: {  	_ =	shalt  }
0x4d: {  	_ =	shalt  }
0x4e: {  	_ =	shalt  }
0x4f: {  	_ =	shalt  }
0x50: {  	_ =	shalt  }
0x51: {  	_ =	shalt  }
0x52: {  	_ =	shalt  }
0x53: {  	_ =	shalt  }
0x54: {  	_ =	shalt  }
0x55: {  	_ =	shalt  }
0x56: {  	_ =	shalt  }
0x57: {  	_ =	shalt  }
0x58: {  	_ =	shalt  }
0x59: {  	_ =	shalt  }
0x5a: {  	_ =	shalt  }
0x5b: {  	_ =	shalt  }
0x5c: {  	_ =	shalt  }
0x5d: {  	_ =	shalt  }
0x5e: {  	_ =	shalt  }
0x5f: {  	_ =	shalt  }
0x60: {  	_ =	shalt  }
0x61: {  	_ =	shalt  }
0x62: {  	_ =	shalt  }
0x63: {  	_ =	shalt  }
0x64: {  	_ =	shalt  }
0x65: {  	_ =	shalt  }
0x66: {  	_ =	shalt  }
0x67: {  	_ =	shalt  }
0x68: {  	_ =	shalt  }
0x69: {  	_ =	shalt  }
0x6a: {  	_ =	shalt  }
0x6b: {  	_ =	shalt  }
0x6c: {  	_ =	shalt  }
0x6d: {  	_ =	shalt  }
0x6e: {  	_ =	shalt  }
0x6f: {  	_ =	shalt  }
0x70: {  	_ =	shalt  }
0x71: {  	_ =	shalt  }
0x72: {  	_ =	shalt  }
0x73: {  	_ =	shalt  }
0x74: {  	_ =	shalt  }
0x75: {  	_ =	shalt  }
0x76: {  	_ =	shalt  }
0x77: {  	_ =	shalt  }
0x78: {  	_ =	shalt  }
0x79: {  	_ =	shalt  }
0x7a: {  	_ =	shalt  }
0x7b: {  	_ =	shalt  }
0x7c: {  	_ =	shalt  }
0x7d: {  	_ =	shalt  }
0x7e: {  	_ =	shalt  }
0x7f: {  	_ =	shalt  }
0x80: {  	_ =	shalt  }
0x81: {  	_ =	shalt  }
0x82: {  	_ =	shalt  }
0x83: {  	_ =	shalt  }
0x84: {  	_ =	shalt  }
0x85: {  	_ =	shalt  }
0x86: {  	_ =	shalt  }
0x87: {  	_ =	shalt  }
.Lfunc_end0:
.L_simem_size_0:
called_computation_lowered:
.L_overlay_start_0:
0x88: {  	s2 =	sld [smem:$0x3FD9]  }
0x89: {  	s3 =	sld [smem:$0x3FFE];
	_ =	sdelay $0x1  }
0x8a: {  	s1 =	srdreg.scid  }
0x8b: {  	s0 =	sand.u32 $0x1, s1  }
0x8c: {  	s17 =	sshll.u32 s0, $0xA;
	s2 =	sadd.s32 s3, s2  }
0x8d: {  	s2 =	sadd.s32 s2, s17  }
0x8e: {  	[smem:$0x3FBC] =	sst s2  }
0x8f: {  	_ = 	snop  }
0x90: {  	s2 =	sld [smem:$0x3FC9]  }
0x91: {  	s18 =	sld [smem:$0x3FC6];
	(tm) =	ssettm $0x1  }
0x92: {  	s4 =	sld [smem:$0x3FFB];
	_ =	sdelay $0x3  }
0x93: {  	_ =	strace s4  }
0x94: {  	s4 =	sld [smem:$0x3FFC];
	_ =	sdelay $0x3  }
0x95: {  	_ =	strace s4  }
0x96: {  	s4 =	sld [smem:$0x3FFD];
	_ =	sdelay $0x3  }
0x97: {  	_ =	strace s4  }
0x98: {  	_ =	strace $0x8FFFFFFF  }
0x99: {  	s19 =	sld [smem:$0x3FDB];
	_ =	sdelay $0x1  }
0x9a: {  	s5 =	simm.s32 $_scs_section_size  }
0x9b: {  	s6 =	simm.s32 $_size__tile_overlayer_lowered;
	s7 =	simm.s32 $_tile_overlayer_lowered  }
0x9c: {  	s22 =	simm.s32 $0x1BFF;
	s21 =	sshll.u32 s7, $0x1;
	s4 =	sadd.s32 s5, s19  }
0x9d: {  	s8 =	simm.s32 $0x0;
	s20 =	sshll.u32 s6, $0x1;
	s6 =	sadd.s32 s21, s4  }
0x9e: {  	[timem:s8], [sflag:s22] =	dma.local [hbm:s6], s20  }
0x9f: {  	_ =	swait.ge [sflag:s22], s20  }
0xa0: {  	s5 =	ssub.s32 $0x0, s20;
	[sflag:s22] =	ssyncset.done $0x0  }
0xa1: {  	[sflag:s22] =	ssyncadd.s32 s5;
	_ =	sdelay $0x1  }
0xa2: {  	s23 =	simm.s32 $0x1B8B  }
0xa3: {  	_ =	swait.ge [sflag:s23], $0x1  }
0xa4: {  	[sflag:s23] =	ssyncset.done $0x0  }
0xa5: {  	s25 =	simm.s32 $0x1B8E;
	s24 =	sld [smem:$0x3FFE];
	[sflag:s23] =	ssyncadd.s32 $0xFFFFFFFF  }
0xa6: {  	s26 =	simm.s32 $execute0_lowered;
	[smem:$0x3FD2] =	sst s25  }
0xa7: {  	s6 =	sshll.u32 s26, $0x1;
	_ =	strace $0x80000046;
	[dreg:$0x1] =	wrdreg $0xFFFFFFFF  }
0xa8: {  	s28 =	simm.s32 $_size_execute0_lowered;
	s4 =	sadd.s32 s4, s6;
	[dreg:$0x0] =	wrdreg $0x0  }
0xa9: {  	s6 =	sshll.u32 s28, $0x1;
	[dreg:$0x2] =	wrdreg s4  }
0xaa: {  	[dreg:$0x3] =	wrdreg s6  }
0xab: {  	[dreg:$0x4] =	wrdreg $0xC0  }
0xac: {  	_ =	task [dreg:s8], $0x5FFFF  }
0xad: {  	[dreg:$0x1] =	wrdreg $0xFFFFFFFF  }
0xae: {  	[dreg:$0x0] =	wrdreg $0x60  }
0xaf: {  	[dreg:$0x2] =	wrdreg s2  }
0xb0: {  	[dreg:$0x3] =	wrdreg s18  }
0xb1: {  	[dreg:$0x4] =	wrdreg s24  }
0xb2: {  	[dreg:$0x5] =	wrdreg $0x9  }
0xb3: {  	_ =	task.clear_ibuf [dreg:s8], $0x6FFFF;
	_ =	strace $0x90000046  }
0xb4: {  	s29 =	simm.s32 $0x9;
	_ =	strace $0x80000048  }
0xb5: {  	_ =	swait.ge [sflag:s29], $0x1  }
0xb6: {  	[sflag:s29] =	ssyncadd.s32 $0xFFFFFFFF  }
0xb7: {  	_ =	strace $0x90000048  }
0xb8: {  	_ =	sfence  }
0xb9: {  	s30 =	sld [smem:$0x0];
	_ =	sdelay $0x2  }
0xba: {  	s31 =	sshll.u32 s1, $0xD;
	s1 =	sshrl.u32 s1, $0x2  }
0xbb: {  	s3 =	sand.u32 $0x4000, s31;
	s1 =	sadd.s32 s1, s30  }
0xbc: {  	s0 =	sor.u32 s3, s0;
	s1 =	sshll.u32 s1, $0x11  }
0xbd: {  	s0 =	sor.u32 s1, s0  }
0xbe: {  	s0 =	sadd.s32 $0x8F2B, s0  }
0xbf: {  	[sflag:s0] =	ssyncadd.remote.s32 $0x1  }
0xc0: {  	_ =	sfence.sel $0xFFFF  }
0xc1: {  	[dreg:$0x0] =	wrdreg $0xFFFFFFFF;
	(pc) =	sbr.abs _section_cstart, $3  }
0xc2: {  	[dreg:$0x1] =	wrdreg $0xFFFFFFFF  }
0xc3: {  	_ =	task.clear_ibuf [dreg:s8], $0x2FFFF;
	_ =	strace $0x9FFFFFFF  }
0xc4: {  	(tm) =	ssettm $0x7FFFFFFF  }
0xc5: {  	_ =	shalt  }
tec
execute0_lowered:
.L_overlay_start_1:
0x0: {  	(tag) =	ssettag $0x1  }
0x1: {  	s4 =	rddreg [dreg:$0x0];
	s1 =	srdreg.scid  }
0x2: {  	s2 =	rddreg [dreg:$0x1];
	s0 =	stileid.u32;
	s23 =	sand.u32 $0x1, s1  }
0x3: {  	s14 =	rddreg [dreg:$0x2];
	s5 =	sshll.u32 s0, $0xA;
	s6 =	sshll.u32 s23, $0x9  }
0x4: {  	s3 =	simm.s32 $0x0;
	s1 =	rddreg [dreg:$0x3];
	s15 =	sor.u32 s6, s5  }
0x5: {  	[smem:$0x7FF] =	sst s3;
	s5 =	sshrl.u32 s15, $0x3  }
0x6: {  	_ =	strace $0x80000047;
	s4 =	sadd.s32 s4, s5;
	s5 =	simm.s32 $0x9  }
0x7: {  	[tilespmem:s3], [sflag:$0x9] =	stream.linear.gather [hbm4b:s4+s3], $0x200, $0x38;
	[tilespmem:$0x10200] =	vst v63  }
0x8: {  	_ =	swait.ge [sflag:s5], $0x200  }
0x9: {  	[sflag:s5] =	ssyncset.done $0x0  }
0xa: {  	s7 =	simm.s32 $0x200;
	s6 =	simm.s32 $0x80;
	[sflag:s5] =	ssyncadd.s32 $0xFFFFFE00  }
0xb: {  	[tilespmem:s7], [sflag:$0x1] =	stream.indirect.gather [hbm4b:s2+s6], $0x80, s3, s6, $0xb8;
	[tilespmem:$0x10200] =	vst v63  }
0xc: {  	s8 =	simm.s32 $0x4200  }
0xd: {  	[tilespmem:s8], [sflag:$0x2] =	stream.indirect.gather [hbm4b:s2+s6], $0x80, s6, s6, $0xb8;
	[tilespmem:$0x10200] =	vst v63  }
0xe: {  	s9 =	simm.s32 $0x100;
	s10 =	simm.s32 $0x8200  }
0xf: {  	[tilespmem:s10], [sflag:$0x3] =	stream.indirect.gather [hbm4b:s2+s6], $0x80, s9, s6, $0xb8;
	[tilespmem:$0x10200] =	vst v63  }
0x10: {  	s11 =	simm.s32 $0x180;
	s12 =	simm.s32 $0xC200;
	s13 =	simm.s32 $0x1  }
0x11: {  	[tilespmem:s12], [sflag:$0x4] =	stream.indirect.gather [hbm4b:s2+s6], $0x80, s11, s6, $0xb8;
	[tilespmem:$0x10200] =	vst v63  }
0x12: {  	s15 =	sshll.u32 s15, $0x4;
	_ =	swait.ge [sflag:s13], $0x4000  }
0x13: {  	s20 =	sadd.s32 s15, s14;
	[sflag:s13] =	ssyncset.done $0x0  }
0x14: {  	s15 =	simm.s32 $0x2;
	s14 =	sadd.s32 $0x1800, s20;
	[sflag:s13] =	ssyncadd.s32 $0xFFFFC000  }
0x15: {  	[hbm4b:s14+s3] =	stream.linear.scatter [tilespmem:s7], [sflag:$0x5], $0x4000, $0x38;
	[tilespmem:$0x10200] =	vst v63  }
0x16: {  	_ =	swait.ge [sflag:s15], $0x4000  }
0x17: {  	[sflag:s15] =	ssyncset.done $0x0  }
0x18: {  	s17 =	simm.s32 $0x3;
	s16 =	sadd.s32 $0x2000, s20;
	[sflag:s15] =	ssyncadd.s32 $0xFFFFC000  }
0x19: {  	[hbm4b:s16+s3] =	stream.linear.scatter [tilespmem:s8], [sflag:$0x6], $0x4000, $0x38;
	[tilespmem:$0x10200] =	vst v63  }
0x1a: {  	_ =	swait.ge [sflag:s17], $0x4000  }
0x1b: {  	[sflag:s17] =	ssyncset.done $0x0  }
0x1c: {  	s19 =	simm.s32 $0x4;
	s18 =	sadd.s32 $0x2800, s20;
	[sflag:s17] =	ssyncadd.s32 $0xFFFFC000  }
0x1d: {  	[hbm4b:s18+s3] =	stream.linear.scatter [tilespmem:s10], [sflag:$0x7], $0x4000, $0x38;
	[tilespmem:$0x10200] =	vst v63  }
0x1e: {  	_ =	swait.ge [sflag:s19], $0x4000  }
0x1f: {  	[sflag:s19] =	ssyncset.done $0x0  }
0x20: {  	s21 =	simm.s32 $0x5;
	s20 =	sadd.s32 $0x3000, s20;
	[sflag:s19] =	ssyncadd.s32 $0xFFFFC000  }
0x21: {  	[hbm4b:s20+s3] =	stream.linear.scatter [tilespmem:s12], [sflag:$0x8], $0x4000, $0x38;
	[tilespmem:$0x10200] =	vst v63  }
0x22: {  	_ =	swait.ge [sflag:s21], $0x4000  }
0x23: {  	s24 =	ssub.s32 $0x2, s23;
	[sflag:s21] =	ssyncset.done $0x0  }
0x24: {  	s22 =	simm.s32 $0x6;
	s25 =	sshrl.u32 s24, $0x1;
	[sflag:s21] =	ssyncadd.s32 $0xFFFFC000  }
0x25: {  	s24 =	ssub.s32 s24, s25;
	_ =	swait.ge [sflag:s22], $0x4000  }
0x26: {  	s25 =	smax.u32 s24, $0x1;
	[sflag:s22] =	ssyncset.done $0x0  }
0x27: {  	s23 =	simm.s32 $0x7;
	p0 =	sne.s32 s25, $0x1;
	[sflag:s22] =	ssyncadd.s32 $0xFFFFC000  }
.Ltmp0:
0x28: {  	_ =	swait.ge [sflag:s23], $0x4000;
	(pc) =	sbr.rel @!p0 .LBB2_2-.Ltmp0, $4  }
0x29: {  	[sflag:s23] =	ssyncset.done $0x0  }
0x2a: {  	s24 =	simm.s32 $0x8;
	[sflag:s23] =	ssyncadd.s32 $0xFFFFC000  }
0x2b: {  	_ =	swait.ge [sflag:s24], $0x4000  }
0x2c: {  	s25 =	sadd.s32 $0xFFFFFFFF, s25;
	[sflag:s24] =	ssyncset.done $0x0  }
.LBB2_1:
0x2d: {  	p0 =	sne.s32 s25, $0x1;
	s25 =	sadd.s32 $0xFFFFFFFF, s25;
	[sflag:s24] =	ssyncadd.s32 $0xFFFFC000  }
0x2e: {  	[tilespmem:s3], [sflag:$0x9] =	stream.linear.gather [hbm4b:s4+s3], $0x200, $0x38;
	[tilespmem:$0x10200] =	vst v63  }
0x2f: {  	_ =	swait.ge [sflag:s5], $0x200  }
0x30: {  	[sflag:s5] =	ssyncset.done $0x0  }
0x31: {  	[sflag:s5] =	ssyncadd.s32 $0xFFFFFE00  }
0x32: {  	[tilespmem:s7], [sflag:$0x1] =	stream.indirect.gather [hbm4b:s2+s6], $0x80, s3, s6, $0xb8;
	[tilespmem:$0x10200] =	vst v63  }
0x33: {  	_ = 	snop  }
0x34: {  	[tilespmem:s8], [sflag:$0x2] =	stream.indirect.gather [hbm4b:s2+s6], $0x80, s6, s6, $0xb8;
	[tilespmem:$0x10200] =	vst v63  }
0x35: {  	_ = 	snop  }
0x36: {  	[tilespmem:s10], [sflag:$0x3] =	stream.indirect.gather [hbm4b:s2+s6], $0x80, s9, s6, $0xb8;
	[tilespmem:$0x10200] =	vst v63  }
0x37: {  	_ = 	snop  }
0x38: {  	[tilespmem:s12], [sflag:$0x4] =	stream.indirect.gather [hbm4b:s2+s6], $0x80, s11, s6, $0xb8;
	[tilespmem:$0x10200] =	vst v63  }
0x39: {  	_ =	swait.ge [sflag:s13], $0x4000  }
0x3a: {  	[sflag:s13] =	ssyncset.done $0x0  }
0x3b: {  	[sflag:s13] =	ssyncadd.s32 $0xFFFFC000  }
0x3c: {  	[hbm4b:s14+s3] =	stream.linear.scatter [tilespmem:s7], [sflag:$0x5], $0x4000, $0x38;
	[tilespmem:$0x10200] =	vst v63  }
0x3d: {  	_ =	swait.ge [sflag:s15], $0x4000  }
0x3e: {  	[sflag:s15] =	ssyncset.done $0x0  }
0x3f: {  	[sflag:s15] =	ssyncadd.s32 $0xFFFFC000  }
0x40: {  	[hbm4b:s16+s3] =	stream.linear.scatter [tilespmem:s8], [sflag:$0x6], $0x4000, $0x38;
	[tilespmem:$0x10200] =	vst v63  }
0x41: {  	_ =	swait.ge [sflag:s17], $0x4000  }
0x42: {  	[sflag:s17] =	ssyncset.done $0x0  }
0x43: {  	[sflag:s17] =	ssyncadd.s32 $0xFFFFC000  }
0x44: {  	[hbm4b:s18+s3] =	stream.linear.scatter [tilespmem:s10], [sflag:$0x7], $0x4000, $0x38;
	[tilespmem:$0x10200] =	vst v63  }
0x45: {  	_ =	swait.ge [sflag:s19], $0x4000  }
0x46: {  	[sflag:s19] =	ssyncset.done $0x0  }
0x47: {  	[sflag:s19] =	ssyncadd.s32 $0xFFFFC000  }
0x48: {  	[hbm4b:s20+s3] =	stream.linear.scatter [tilespmem:s12], [sflag:$0x8], $0x4000, $0x38;
	[tilespmem:$0x10200] =	vst v63  }
0x49: {  	_ =	swait.ge [sflag:s21], $0x4000  }
0x4a: {  	[sflag:s21] =	ssyncset.done $0x0  }
0x4b: {  	[sflag:s21] =	ssyncadd.s32 $0xFFFFC000  }
0x4c: {  	_ =	swait.ge [sflag:s22], $0x4000  }
0x4d: {  	[sflag:s22] =	ssyncset.done $0x0  }
0x4e: {  	[sflag:s22] =	ssyncadd.s32 $0xFFFFC000  }
.Ltmp1:
0x4f: {  	_ =	swait.ge [sflag:s23], $0x4000;
	(pc) =	sbr.rel @p0 .LBB2_1-.Ltmp1, $4  }
0x50: {  	[sflag:s23] =	ssyncset.done $0x0  }
0x51: {  	[sflag:s23] =	ssyncadd.s32 $0xFFFFC000  }
0x52: {  	_ =	swait.ge [sflag:s24], $0x4000  }
0x53: {  	[sflag:s24] =	ssyncset.done $0x0  }
.LBB2_2:
0x54: {  	[sflag:s24] =	ssyncadd.s32 $0xFFFFC000  }
0x55: {  	_ =	sfence.sel $0x180000  }
0x56: {  	[bflag:$0x0] =	sbarrier.arrive $0xFFFF  }
0x57: {  	p0 =	sne.s32 s0, $0x0;
	_ =	strace $0x90000047  }
0x58: {  	s0 =	sadd.s32 @!p0 $0x100000, s1;
	[bflag:$0x2] =	sbarrier.arrive $0xFFFF  }
0x59: {  	[sflag:s0] =	ssyncadd.tile.s32 @!p0 $0x1;
	_ =	shalt  }
.Lfunc_end2:
_tile_overlayer_lowered:
.L_overlay_start_2:
0x5a: {  	(tag) =	ssettag $0x2  }
0x5b: {  	s0 =	rddreg [dreg:$0x0];
	s2 =	stileid.u32  }
0x5c: {  	s1 =	rddreg [dreg:$0x1];
	p0 =	sne.s32 s2, $0x0  }
0x5d: {  	s3 =	rddreg [dreg:$0x2];
	[bflag:$0x3] =	sbarrier.arrive $0xFFFF;
	s2 =	simm.s32 @!p0 $0x1C09  }
0x5e: {  	[timem:s3], [sflag:s2] =	dma.local @!p0 [hbm:s0], s1  }
0x5f: {  	s0 =	simm.s32 @!p0 $0x9  }
0x60: {  	_ =	swait.ge @!p0 [sflag:s0], s1  }
0x61: {  	s1 =	ssub.s32 @!p0 $0x0, s1;
	[sflag:s0] =	ssyncset.done @!p0 $0x0  }
0x62: {  	[sflag:s0] =	ssyncadd.s32 @!p0 s1  }
0x63: {  	[bflag:$0x3] =	sbarrier.arrive $0xFFFF  }
0x64: {  	_ =	shalt  }

</sc_bundles>
